<compile_context>
chip_gen: v7x
topology: tpu7x:2x2x1
jax: 0.10.2.dev20260603
libtpu: 0.0.44.dev20260713+nightly
codegen_flags: <defaults>
</compile_context>

<pallas_src>
import jax
import jax.numpy as jnp
import numpy as np
from jax.experimental import pallas as pl
from jax.experimental.pallas import tpu as pltpu
from jax.experimental.pallas import tpu_sc as plsc

_FMAX = np.float32(np.finfo(np.float32).max)
_FMAXBITS = np.int32(np.float32(_FMAX).view(np.int32))
_IMAX = np.int32(2**31 - 1)
_P = 4096
_W = 32
_L = 16


def _assign_body(xs_ref, ys_ref, zs_ref, anchT_ref, aidx_ref, dbits_ref):
    P = xs_ref.shape[2]
    S = anchT_ref.shape[0]

    x = xs_ref[0]
    y = ys_ref[0]
    z = zs_ref[0]
    d = jnp.sqrt((x * x + y * y) + z * z)
    n = jnp.where(d == 0.0, jnp.float32(1.0), d)
    tpT = (jnp.concatenate([x, y, z], axis=0) / n).astype(jnp.bfloat16)
    abT = anchT_ref[...].astype(jnp.bfloat16)
    cosT = jax.lax.dot_general(abT, tpT, (((1,), (0,)), ((), ())),
                               preferred_element_type=jnp.float32)

    amax = jnp.max(cosT, axis=0, keepdims=True)
    sidx = jax.lax.broadcasted_iota(jnp.int32, (S, P), 0)
    aidx = jnp.min(jnp.where(cosT == amax, sidx, jnp.int32(S)),
                   axis=0, keepdims=True)

    aidx_ref[...] = aidx[None]
    dbits_ref[...] = jax.lax.bitcast_convert_type(d, jnp.int32)[None]


def _sc_body(aidx_hbm, dbits_hbm, pbd_hbm, pbi_hbm, av, dv, bd, bi):
    C = av.shape[0]
    S = pbd_hbm.shape[1] // _L
    wid = jax.lax.axis_index("c") * 16 + jax.lax.axis_index("s")
    pltpu.sync_copy(aidx_hbm.at[pl.ds(wid * C, C)], av)
    pltpu.sync_copy(dbits_hbm.at[pl.ds(wid * C, C)], dv)

    fmax16 = jnp.full((_L,), _FMAXBITS, jnp.int32)

    def init_step(j, carry):
        bd[pl.ds(j * _L, _L)] = fmax16
        return carry

    jax.lax.fori_loop(0, bd.shape[0] // _L, init_step, 0)

    lane = jax.lax.iota(jnp.int32, _L)
    slot0 = lane * S

    def step(g, carry):
        a = av[pl.ds(g * _L, _L)]
        db = dv[pl.ds(g * _L, _L)]
        slot = slot0 + a
        cur = plsc.load_gather(bd, [slot])
        m = db < cur
        plsc.store_scatter(bd, [slot], db, mask=m)
        gidx = wid * C + g * _L + lane
        plsc.store_scatter(bi, [slot], gidx, mask=m)
        return carry

    jax.lax.fori_loop(0, C // _L, step, 0)

    pltpu.sync_copy(bd, pbd_hbm.at[wid])
    pltpu.sync_copy(bi, pbi_hbm.at[wid])


def _combine_body(pbd_ref, pbi_ref, out_ref):
    pbd = pbd_ref[...]
    pbi = pbi_ref[...]
    accd = jnp.min(pbd, axis=0, keepdims=True)
    eq = pbd == accd
    bi_sel = jnp.min(jnp.where(eq, pbi, _IMAX),
                     axis=0, keepdims=True)
    out_ref[...] = jnp.where(accd == _FMAXBITS, jnp.int32(-1), bi_sel)


def kernel(points, anchors):
    N = points.shape[0]
    S = anchors.shape[1]
    nb = N // _P
    xs = points[:, 0].reshape(nb, 1, _P)
    ys = points[:, 1].reshape(nb, 1, _P)
    zs = points[:, 2].reshape(nb, 1, _P)
    coord_spec = pl.BlockSpec((1, 1, _P), lambda i: (i, 0, 0))
    aidx, dbits = pl.pallas_call(
        _assign_body,
        grid=(nb,),
        in_specs=[
            coord_spec,
            coord_spec,
            coord_spec,
            pl.BlockSpec((S, 3), lambda i: (0, 0)),
        ],
        out_specs=[
            pl.BlockSpec((1, 1, _P), lambda i: (i, 0, 0)),
            pl.BlockSpec((1, 1, _P), lambda i: (i, 0, 0)),
        ],
        out_shape=[
            jax.ShapeDtypeStruct((nb, 1, _P), jnp.int32),
            jax.ShapeDtypeStruct((nb, 1, _P), jnp.int32),
        ],
    )(xs, ys, zs, anchors.T)

    C = N // _W
    mesh = plsc.VectorSubcoreMesh(core_axis_name="c", subcore_axis_name="s")
    pbd, pbi = pl.kernel(
        _sc_body,
        out_type=[
            jax.ShapeDtypeStruct((_W, _L * S), jnp.int32),
            jax.ShapeDtypeStruct((_W, _L * S), jnp.int32),
        ],
        mesh=mesh,
        compiler_params=pltpu.CompilerParams(needs_layout_passes=False),
        scratch_types=[
            pltpu.VMEM((C,), jnp.int32),
            pltpu.VMEM((C,), jnp.int32),
            pltpu.VMEM((_L * S,), jnp.int32),
            pltpu.VMEM((_L * S,), jnp.int32),
        ],
    )(aidx.reshape(N), dbits.reshape(N))

    out = pl.pallas_call(
        _combine_body,
        out_shape=jax.ShapeDtypeStruct((1, S), jnp.int32),
    )(pbd.reshape(_W * _L, S), pbi.reshape(_W * _L, S))
    return out.reshape(S)

# --- scband reference (transcript-rebuilt; emitter-appended) ---
"""Pipeline reference for scband-uni-sphere-torch-sampler-5016521801787 (READ-ONLY COPY).

The authoritative reference and input builder live on the scoring server;
editing this copy changes nothing except your own understanding.
"""

import jax, jax.numpy as jnp
import numpy as np

N_SAMPLES = 1024
N_POINTS = 65536


def fibonacci_sphere(n):
    i = np.arange(n, dtype=np.float64)
    phi = np.pi * (3.0 - np.sqrt(5.0))
    y = 1.0 - (i / (n - 1)) * 2.0
    radius = np.sqrt(np.maximum(1.0 - y * y, 0.0))
    theta = phi * i
    x = np.cos(theta) * radius
    z = np.sin(theta) * radius
    return np.stack([x, y, z], axis=1).astype(np.float32)  # [n, 3]


def setup_inputs(seed: int = 0):
    key = jax.random.key(seed)
    points = jax.random.normal(key, (N_POINTS, 3), dtype=jnp.float32) * 5.0
    anchors = jnp.asarray(fibonacci_sphere(N_SAMPLES)).T  # [3, n_samples], matches transpose in __init__
    return {"points": points, "anchors": anchors}


def reference(points, anchors):
    n_points = points.shape[0]
    n_samples = anchors.shape[1]
    dist_bound = jnp.asarray(np.finfo(np.float32).max, dtype=jnp.float32)
    t_d = jnp.linalg.norm(points, axis=-1)  # [N]
    t_n = jnp.where(t_d == 0, jnp.float32(1.0), t_d)
    t_p = points / t_n[:, None]
    angel_cos_grid = t_p @ anchors  # [N, S]
    angel_min_idx = jnp.argmax(angel_cos_grid, axis=-1)  # [N]
    point_idx = jnp.arange(n_points)
    # scatter-overwrite: dist_grid[anchor_of_point, point] = distance
    dist_grid = jnp.full((n_samples, n_points), dist_bound, dtype=jnp.float32)
    dist_grid = dist_grid.at[angel_min_idx, point_idx].set(t_d)
    dist_min_idx = jnp.argmin(dist_grid, axis=-1)  # [S]
    dist_min = dist_grid[jnp.arange(n_samples), dist_min_idx]  # [S]
    dist_min_idx = jnp.where(dist_min == dist_bound, -1, dist_min_idx)
    return dist_min_idx

if __name__ == "__main__":
    import jax
    _d = setup_inputs()
    print(jax.jit(kernel)(*tuple(_d.values())))

</pallas_src>

<mosaic_0001>
#map = affine_map<(d0, d1) -> (0)>
#map1 = affine_map<(d0, d1) -> (0, 0)>
module attributes {stable_mosaic.version = 14 : i64} {
  func.func @_sc_body(%arg0: i32, %arg1: i32, %arg2: memref<65536xi32, #tpu.memory_space<hbm>>, %arg3: memref<65536xi32, #tpu.memory_space<hbm>>, %arg4: memref<32x16384xi32, #tpu.memory_space<hbm>>, %arg5: memref<32x16384xi32, #tpu.memory_space<hbm>>, %arg6: memref<2048xi32, #tpu.memory_space<vmem>>, %arg7: memref<2048xi32, #tpu.memory_space<vmem>>, %arg8: memref<16384xi32, #tpu.memory_space<vmem>>, %arg9: memref<16384xi32, #tpu.memory_space<vmem>>) attributes {dimension_semantics = [#tpu.dimension_semantics<core_parallel>, #tpu.dimension_semantics<subcore_parallel>], iteration_bounds = array<i64: 2, 16>, scalar_prefetch = 0 : i64, scratch_operands = 4 : i64, tpu.core_type = #tpu.core_type<sc_vector_subcore>, window_params = [{transform_indices = #map}, {transform_indices = #map}, {transform_indices = #map1}, {transform_indices = #map1}]} {
    %mul3A = arith.constant 16 : i32
    %mul3A_0 = arith.muli %arg0, %mul3A : i32
    %add3A = arith.addi %mul3A_0, %arg1 : i32
    %mul3A_1 = arith.constant 2048 : i32
    %mul3A_2 = arith.muli %add3A, %mul3A_1 : i32
    "tpu.region"() ({
      %run_scoped3A = tpu.sem_alloc : memref<!tpu.dma_semaphore, #tpu.memory_space<semaphore_mem>>
      %dma_start3A = tpu.memref_slice %arg2[%mul3A_2] : memref<65536xi32, #tpu.memory_space<hbm>> -> memref<2048xi32, #tpu.memory_space<hbm>>
      %dma_start3A_20 = tpu.memref_slice %arg2[%mul3A_2] : memref<65536xi32, #tpu.memory_space<hbm>> -> memref<2048xi32, #tpu.memory_space<hbm>>
      tpu.enqueue_dma source(%dma_start3A_20 : memref<2048xi32, #tpu.memory_space<hbm>>) target(%arg6 : memref<2048xi32, #tpu.memory_space<vmem>>) target_semaphore(%run_scoped3A : memref<!tpu.dma_semaphore, #tpu.memory_space<semaphore_mem>>)
      %dma_wait3A = tpu.memref_slice %arg2[%mul3A_2] : memref<65536xi32, #tpu.memory_space<hbm>> -> memref<2048xi32, #tpu.memory_space<hbm>>
      %dma_wait3A_21 = tpu.memref_slice %arg2[%mul3A_2] : memref<65536xi32, #tpu.memory_space<hbm>> -> memref<2048xi32, #tpu.memory_space<hbm>>
      tpu.wait_dma2 semaphore(%run_scoped3A : memref<!tpu.dma_semaphore, #tpu.memory_space<semaphore_mem>>) src(%dma_wait3A_21 : memref<2048xi32, #tpu.memory_space<hbm>>) dst(%arg6 : memref<2048xi32, #tpu.memory_space<vmem>>)
      tpu.yield
    }) : () -> ()
    %mul3A_3 = arith.constant 2048 : i32
    %mul3A_4 = arith.muli %add3A, %mul3A_3 : i32
    "tpu.region"() ({
      %run_scoped3A = tpu.sem_alloc : memref<!tpu.dma_semaphore, #tpu.memory_space<semaphore_mem>>
      %dma_start3A = tpu.memref_slice %arg3[%mul3A_4] : memref<65536xi32, #tpu.memory_space<hbm>> -> memref<2048xi32, #tpu.memory_space<hbm>>
      %dma_start3A_20 = tpu.memref_slice %arg3[%mul3A_4] : memref<65536xi32, #tpu.memory_space<hbm>> -> memref<2048xi32, #tpu.memory_space<hbm>>
      tpu.enqueue_dma source(%dma_start3A_20 : memref<2048xi32, #tpu.memory_space<hbm>>) target(%arg7 : memref<2048xi32, #tpu.memory_space<vmem>>) target_semaphore(%run_scoped3A : memref<!tpu.dma_semaphore, #tpu.memory_space<semaphore_mem>>)
      %dma_wait3A = tpu.memref_slice %arg3[%mul3A_4] : memref<65536xi32, #tpu.memory_space<hbm>> -> memref<2048xi32, #tpu.memory_space<hbm>>
      %dma_wait3A_21 = tpu.memref_slice %arg3[%mul3A_4] : memref<65536xi32, #tpu.memory_space<hbm>> -> memref<2048xi32, #tpu.memory_space<hbm>>
      tpu.wait_dma2 semaphore(%run_scoped3A : memref<!tpu.dma_semaphore, #tpu.memory_space<semaphore_mem>>) src(%dma_wait3A_21 : memref<2048xi32, #tpu.memory_space<hbm>>) dst(%arg7 : memref<2048xi32, #tpu.memory_space<vmem>>)
      tpu.yield
    }) : () -> ()
    %broadcast_in_dim3A = arith.constant 2139095039 : i32
    %broadcast_in_dim3A_5 = vector.broadcast %broadcast_in_dim3A : i32 to vector<16xi32>
    %scan3A = arith.constant 0 : i32
    %scan3A_6 = arith.constant 0 : i32
    %scan3A_7 = arith.constant 1024 : i32
    %scan3A_8 = arith.addi %scan3A_6, %scan3A_7 : i32
    %scan3A_9 = arith.constant 1 : i32
    scf.for %scan3A_20 = %scan3A_6 to %scan3A_8 step %scan3A_9  : i32 {
      %mul3A_21 = arith.constant 16 : i32
      %mul3A_22 = arith.muli %scan3A_20, %mul3A_21 : i32
      %swap3A = arith.index_cast %mul3A_22 : i32 to index
      %swap3A_23 = tpu.vector_load %arg8[%swap3A] {strides = array<i32>} : memref<16384xi32, #tpu.memory_space<vmem>>, vector<16xi32>,
      tpu.vector_store %arg8[%swap3A], %broadcast_in_dim3A_5 {strides = array<i32>} : memref<16384xi32, #tpu.memory_space<vmem>>, vector<16xi32>,
    }
    %scan3A_10 = arith.constant 1024 : i32
    %iota3A = tpu.iota {dimensions = array<i32: 0>} : vector<16xi32>
    %mul3A_11 = arith.constant 1024 : i32
    %mul3A_12 = vector.broadcast %mul3A_11 : i32 to vector<16xi32>
    %mul3A_13 = arith.muli %iota3A, %mul3A_12 : vector<16xi32>
    %scan3A_14 = arith.constant 0 : i32
    %scan3A_15 = arith.constant 0 : i32
    %scan3A_16 = arith.constant 128 : i32
    %scan3A_17 = arith.addi %scan3A_15, %scan3A_16 : i32
    %scan3A_18 = arith.constant 1 : i32
    scf.for %scan3A_20 = %scan3A_15 to %scan3A_17 step %scan3A_18  : i32 {
      %mul3A_21 = arith.constant 16 : i32
      %mul3A_22 = arith.muli %scan3A_20, %mul3A_21 : i32
      %get3A = arith.index_cast %mul3A_22 : i32 to index
      %get3A_23 = tpu.vector_load %arg6[%get3A] {strides = array<i32>} : memref<2048xi32, #tpu.memory_space<vmem>>, vector<16xi32>,
      %mul3A_24 = arith.constant 16 : i32
      %mul3A_25 = arith.muli %scan3A_20, %mul3A_24 : i32
      %get3A_26 = arith.index_cast %mul3A_25 : i32 to index
      %get3A_27 = tpu.vector_load %arg7[%get3A_26] {strides = array<i32>} : memref<2048xi32, #tpu.memory_space<vmem>>, vector<16xi32>,
      %add3A_28 = arith.addi %mul3A_13, %get3A_23 : vector<16xi32>
      %gather3A = tpu.vector_load_idx %arg8[%add3A_28] : memref<16384xi32, #tpu.memory_space<vmem>>[vector<16xi32>], vector<16xi32>,
      %lt3A = arith.cmpi slt, %get3A_27, %gather3A : vector<16xi32>
      tpu.vector_store_idx %arg8[%add3A_28], %get3A_27 masked %lt3A : memref<16384xi32, #tpu.memory_space<vmem>>[vector<16xi32>], vector<16xi32>, vector<16xi1>
      %mul3A_29 = arith.constant 2048 : i32
      %mul3A_30 = arith.muli %add3A, %mul3A_29 : i32
      %mul3A_31 = arith.constant 16 : i32
      %mul3A_32 = arith.muli %scan3A_20, %mul3A_31 : i32
      %add3A_33 = arith.addi %mul3A_30, %mul3A_32 : i32
      %add3A_34 = vector.broadcast %add3A_33 : i32 to vector<16xi32>
      %add3A_35 = arith.addi %add3A_34, %iota3A : vector<16xi32>
      tpu.vector_store_idx %arg9[%add3A_28], %add3A_35 masked %lt3A : memref<16384xi32, #tpu.memory_space<vmem>>[vector<16xi32>], vector<16xi32>, vector<16xi1>
    }
    %scan3A_19 = arith.constant 128 : i32
    "tpu.region"() ({
      %run_scoped3A = tpu.sem_alloc : memref<!tpu.dma_semaphore, #tpu.memory_space<semaphore_mem>>
      %dma_start3A = arith.constant 0 : i32
      %dma_start3A_20 = tpu.memref_slice %arg4[%add3A, %dma_start3A] : memref<32x16384xi32, #tpu.memory_space<hbm>> -> memref<1x16384xi32, #tpu.memory_space<hbm>>
      %dma_start3A_21 = tpu.memref_squeeze %dma_start3A_20 : memref<1x16384xi32, #tpu.memory_space<hbm>> -> memref<16384xi32, #tpu.memory_space<hbm>>
      %dma_start3A_22 = arith.constant 0 : i32
      %dma_start3A_23 = tpu.memref_slice %arg4[%add3A, %dma_start3A_22] : memref<32x16384xi32, #tpu.memory_space<hbm>> -> memref<1x16384xi32, #tpu.memory_space<hbm>>
      %dma_start3A_24 = tpu.memref_squeeze %dma_start3A_23 : memref<1x16384xi32, #tpu.memory_space<hbm>> -> memref<16384xi32, #tpu.memory_space<hbm>>
      tpu.enqueue_dma source(%arg8 : memref<16384xi32, #tpu.memory_space<vmem>>) target(%dma_start3A_24 : memref<16384xi32, #tpu.memory_space<hbm>>) target_semaphore(%run_scoped3A : memref<!tpu.dma_semaphore, #tpu.memory_space<semaphore_mem>>)
      %dma_wait3A = arith.constant 0 : i32
      %dma_wait3A_25 = tpu.memref_slice %arg4[%add3A, %dma_wait3A] : memref<32x16384xi32, #tpu.memory_space<hbm>> -> memref<1x16384xi32, #tpu.memory_space<hbm>>
      %dma_wait3A_26 = tpu.memref_squeeze %dma_wait3A_25 : memref<1x16384xi32, #tpu.memory_space<hbm>> -> memref<16384xi32, #tpu.memory_space<hbm>>
      %dma_wait3A_27 = arith.constant 0 : i32
      %dma_wait3A_28 = tpu.memref_slice %arg4[%add3A, %dma_wait3A_27] : memref<32x16384xi32, #tpu.memory_space<hbm>> -> memref<1x16384xi32, #tpu.memory_space<hbm>>
      %dma_wait3A_29 = tpu.memref_squeeze %dma_wait3A_28 : memref<1x16384xi32, #tpu.memory_space<hbm>> -> memref<16384xi32, #tpu.memory_space<hbm>>
      tpu.wait_dma2 semaphore(%run_scoped3A : memref<!tpu.dma_semaphore, #tpu.memory_space<semaphore_mem>>) src(%arg8 : memref<16384xi32, #tpu.memory_space<vmem>>) dst(%dma_wait3A_29 : memref<16384xi32, #tpu.memory_space<hbm>>)
      tpu.yield
    }) : () -> ()
    "tpu.region"() ({
      %run_scoped3A = tpu.sem_alloc : memref<!tpu.dma_semaphore, #tpu.memory_space<semaphore_mem>>
      %dma_start3A = arith.constant 0 : i32
      %dma_start3A_20 = tpu.memref_slice %arg5[%add3A, %dma_start3A] : memref<32x16384xi32, #tpu.memory_space<hbm>> -> memref<1x16384xi32, #tpu.memory_space<hbm>>
      %dma_start3A_21 = tpu.memref_squeeze %dma_start3A_20 : memref<1x16384xi32, #tpu.memory_space<hbm>> -> memref<16384xi32, #tpu.memory_space<hbm>>
      %dma_start3A_22 = arith.constant 0 : i32
      %dma_start3A_23 = tpu.memref_slice %arg5[%add3A, %dma_start3A_22] : memref<32x16384xi32, #tpu.memory_space<hbm>> -> memref<1x16384xi32, #tpu.memory_space<hbm>>
      %dma_start3A_24 = tpu.memref_squeeze %dma_start3A_23 : memref<1x16384xi32, #tpu.memory_space<hbm>> -> memref<16384xi32, #tpu.memory_space<hbm>>
      tpu.enqueue_dma source(%arg9 : memref<16384xi32, #tpu.memory_space<vmem>>) target(%dma_start3A_24 : memref<16384xi32, #tpu.memory_space<hbm>>) target_semaphore(%run_scoped3A : memref<!tpu.dma_semaphore, #tpu.memory_space<semaphore_mem>>)
      %dma_wait3A = arith.constant 0 : i32
      %dma_wait3A_25 = tpu.memref_slice %arg5[%add3A, %dma_wait3A] : memref<32x16384xi32, #tpu.memory_space<hbm>> -> memref<1x16384xi32, #tpu.memory_space<hbm>>
      %dma_wait3A_26 = tpu.memref_squeeze %dma_wait3A_25 : memref<1x16384xi32, #tpu.memory_space<hbm>> -> memref<16384xi32, #tpu.memory_space<hbm>>
      %dma_wait3A_27 = arith.constant 0 : i32
      %dma_wait3A_28 = tpu.memref_slice %arg5[%add3A, %dma_wait3A_27] : memref<32x16384xi32, #tpu.memory_space<hbm>> -> memref<1x16384xi32, #tpu.memory_space<hbm>>
      %dma_wait3A_29 = tpu.memref_squeeze %dma_wait3A_28 : memref<1x16384xi32, #tpu.memory_space<hbm>> -> memref<16384xi32, #tpu.memory_space<hbm>>
      tpu.wait_dma2 semaphore(%run_scoped3A : memref<!tpu.dma_semaphore, #tpu.memory_space<semaphore_mem>>) src(%arg9 : memref<16384xi32, #tpu.memory_space<vmem>>) dst(%dma_wait3A_29 : memref<16384xi32, #tpu.memory_space<hbm>>)
      tpu.yield
    }) : () -> ()
    return
  }
}

module attributes {stable_mosaic.version = 14 : i64} {
  func.func @_assign_body(%arg0: i32, %arg1: memref<1x1x4096xf32, #tpu.memory_space<vmem>>, %arg2: memref<1x1x4096xf32, #tpu.memory_space<vmem>>, %arg3: memref<1x1x4096xf32, #tpu.memory_space<vmem>>, %arg4: memref<1024x3xf32, #tpu.memory_space<vmem>>, %arg5: memref<1x1x4096xi32, #tpu.memory_space<vmem>>, %arg6: memref<1x1x4096xi32, #tpu.memory_space<vmem>>) attributes {dimension_semantics = [#tpu.dimension_semantics<arbitrary>], iteration_bounds = array<i64: 16>, scalar_prefetch = 0 : i64, scratch_operands = 0 : i64, tpu.core_type = #tpu.core_type<tc>, window_params = [{transform_indices = @transform_0, window_bounds = array<i64: 1, 1, 4096>}, {transform_indices = @transform_1, window_bounds = array<i64: 1, 1, 4096>}, {transform_indices = @transform_2, window_bounds = array<i64: 1, 1, 4096>}, {pipeline_mode = #tpu.pipeline_mode<synchronous>, transform_indices = @transform_3, window_bounds = array<i64: 1024, 3>}, {transform_indices = @transform_4, window_bounds = array<i64: 1, 1, 4096>}, {transform_indices = @transform_5, window_bounds = array<i64: 1, 1, 4096>}]} {
    %get3A = arith.constant 0 : index
    %get3A_0 = arith.constant 0 : index
    %get3A_1 = arith.constant 0 : index
    %get3A_2 = vector.load %arg1[%get3A, %get3A_0, %get3A_1] : memref<1x1x4096xf32, #tpu.memory_space<vmem>>, vector<1x1x4096xf32>
    %get3A_3 = vector.shape_cast %get3A_2 : vector<1x1x4096xf32> to vector<1x4096xf32>
    %get3A_4 = arith.constant 0 : index
    %get3A_5 = arith.constant 0 : index
    %get3A_6 = arith.constant 0 : index
    %get3A_7 = vector.load %arg2[%get3A_4, %get3A_5, %get3A_6] : memref<1x1x4096xf32, #tpu.memory_space<vmem>>, vector<1x1x4096xf32>
    %get3A_8 = vector.shape_cast %get3A_7 : vector<1x1x4096xf32> to vector<1x4096xf32>
    %get3A_9 = arith.constant 0 : index
    %get3A_10 = arith.constant 0 : index
    %get3A_11 = arith.constant 0 : index
    %get3A_12 = vector.load %arg3[%get3A_9, %get3A_10, %get3A_11] : memref<1x1x4096xf32, #tpu.memory_space<vmem>>, vector<1x1x4096xf32>
    %get3A_13 = vector.shape_cast %get3A_12 : vector<1x1x4096xf32> to vector<1x4096xf32>
    %mul3A = arith.mulf %get3A_3, %get3A_3 : vector<1x4096xf32>
    %mul3A_14 = arith.mulf %get3A_8, %get3A_8 : vector<1x4096xf32>
    %add3A = arith.addf %mul3A, %mul3A_14 : vector<1x4096xf32>
    %mul3A_15 = arith.mulf %get3A_13, %get3A_13 : vector<1x4096xf32>
    %add3A_16 = arith.addf %add3A, %mul3A_15 : vector<1x4096xf32>
    %sqrt3A = math.sqrt %add3A_16 : vector<1x4096xf32>
    %eq3A = arith.constant 0.000000e+00 : f32
    %eq3A_17 = vector.broadcast %eq3A : f32 to vector<1x4096xf32>
    %eq3A_18 = arith.cmpf oeq, %sqrt3A, %eq3A_17 : vector<1x4096xf32>
    %jit3A = arith.constant 1.000000e+00 : f32
    %broadcast_in_dim3A = vector.broadcast %jit3A : f32 to vector<1x4096xf32>
    %select_n3A = arith.select %eq3A_18, %broadcast_in_dim3A, %sqrt3A : vector<1x4096xi1>, vector<1x4096xf32>
    %concatenate3A = tpu.concatenate %get3A_3, %get3A_8, %get3A_13 in 0 : vector<1x4096xf32>, vector<1x4096xf32>, vector<1x4096xf32> -> vector<3x4096xf32>
    %div3A = vector.broadcast %select_n3A : vector<1x4096xf32> to vector<3x4096xf32>
    %div3A_19 = arith.divf %concatenate3A, %div3A : vector<3x4096xf32>
    %convert_element_type3A = arith.truncf %div3A_19 : vector<3x4096xf32> to vector<3x4096xbf16>
    %get3A_20 = arith.constant 0 : index
    %get3A_21 = arith.constant 0 : index
    %get3A_22 = vector.load %arg4[%get3A_20, %get3A_21] : memref<1024x3xf32, #tpu.memory_space<vmem>>, vector<1024x3xf32>
    %convert_element_type3A_23 = arith.truncf %get3A_22 : vector<1024x3xf32> to vector<1024x3xbf16>
    %dot_general3A = arith.constant dense<0.000000e+00> : vector<1024x4096xf32>
    %dot_general3A_24 = tpu.matmul %convert_element_type3A_23, %convert_element_type3A, %dot_general3A {dimension_numbers = #tpu.dot_dimension_numbers<[1], [0], [0], [1], [0, 0, 1, 1], [], []>, transpose_lhs_hint = false} : vector<1024x3xbf16>, vector<3x4096xbf16>, vector<1024x4096xf32> -> vector<1024x4096xf32>
    %reduce_max3A = arith.constant dense<0xFF800000> : vector<4096xf32>
    %reduce_max3A_25 = vector.multi_reduction <maximumf>, %dot_general3A_24, %reduce_max3A [0] : vector<1024x4096xf32> to vector<4096xf32>
    %broadcast_in_dim3A_26 = vector.shape_cast %reduce_max3A_25 : vector<4096xf32> to vector<1x4096xf32>
    %iota3A = tpu.iota {dimensions = array<i32: 0>} : vector<1024x4096xi32>
    %eq3A_27 = vector.broadcast %broadcast_in_dim3A_26 : vector<1x4096xf32> to vector<1024x4096xf32>
    %eq3A_28 = arith.cmpf oeq, %dot_general3A_24, %eq3A_27 : vector<1024x4096xf32>
    %jit3A_29 = arith.constant 1024 : i32
    %broadcast_in_dim3A_30 = vector.broadcast %jit3A_29 : i32 to vector<1024x4096xi32>
    %select_n3A_31 = arith.select %eq3A_28, %iota3A, %broadcast_in_dim3A_30 : vector<1024x4096xi1>, vector<1024x4096xi32>
    %reduce_min3A = arith.constant dense<2147483647> : vector<4096xi32>
    %reduce_min3A_32 = vector.multi_reduction <minsi>, %select_n3A_31, %reduce_min3A [0] : vector<1024x4096xi32> to vector<4096xi32>
    %broadcast_in_dim3A_33 = vector.shape_cast %reduce_min3A_32 : vector<4096xi32> to vector<1x4096xi32>
    %broadcast_in_dim3A_34 = vector.shape_cast %broadcast_in_dim3A_33 : vector<1x4096xi32> to vector<1x1x4096xi32>
    %swap3A = arith.constant 0 : index
    %swap3A_35 = arith.constant 0 : index
    %swap3A_36 = arith.constant 0 : index
    %swap3A_37 = vector.load %arg5[%swap3A, %swap3A_35, %swap3A_36] : memref<1x1x4096xi32, #tpu.memory_space<vmem>>, vector<1x1x4096xi32>
    tpu.vector_store %arg5[%swap3A, %swap3A_35, %swap3A_36], %broadcast_in_dim3A_34 {strides = array<i32>} : memref<1x1x4096xi32, #tpu.memory_space<vmem>>, vector<1x1x4096xi32>,
    %bitcast_convert_type3A = tpu.bitcast %sqrt3A : vector<1x4096xf32> -> vector<1x4096xi32>
    %broadcast_in_dim3A_38 = vector.shape_cast %bitcast_convert_type3A : vector<1x4096xi32> to vector<1x1x4096xi32>
    %swap3A_39 = arith.constant 0 : index
    %swap3A_40 = arith.constant 0 : index
    %swap3A_41 = arith.constant 0 : index
    %swap3A_42 = vector.load %arg6[%swap3A_39, %swap3A_40, %swap3A_41] : memref<1x1x4096xi32, #tpu.memory_space<vmem>>, vector<1x1x4096xi32>
    tpu.vector_store %arg6[%swap3A_39, %swap3A_40, %swap3A_41], %broadcast_in_dim3A_38 {strides = array<i32>} : memref<1x1x4096xi32, #tpu.memory_space<vmem>>, vector<1x1x4096xi32>,
    return
  }
  func.func @transform_0(%arg0: i32) -> (i32, i32, i32) {
    %c0_i32 = arith.constant 0 : i32
    %c0_i32_0 = arith.constant 0 : i32
    %c0_i32_1 = arith.constant 0 : i32
    return %arg0, %c0_i32, %c0_i32_0 : i32, i32, i32
  }
  func.func @transform_1(%arg0: i32) -> (i32, i32, i32) {
    %c0_i32 = arith.constant 0 : i32
    %c0_i32_0 = arith.constant 0 : i32
    %c0_i32_1 = arith.constant 0 : i32
    return %arg0, %c0_i32, %c0_i32_0 : i32, i32, i32
  }
  func.func @transform_2(%arg0: i32) -> (i32, i32, i32) {
    %c0_i32 = arith.constant 0 : i32
    %c0_i32_0 = arith.constant 0 : i32
    %c0_i32_1 = arith.constant 0 : i32
    return %arg0, %c0_i32, %c0_i32_0 : i32, i32, i32
  }
  func.func @transform_3(%arg0: i32) -> (i32, i32) {
    %c0_i32 = arith.constant 0 : i32
    %c0_i32_0 = arith.constant 0 : i32
    %c0_i32_1 = arith.constant 0 : i32
    return %c0_i32, %c0_i32_0 : i32, i32
  }
  func.func @transform_4(%arg0: i32) -> (i32, i32, i32) {
    %c0_i32 = arith.constant 0 : i32
    %c0_i32_0 = arith.constant 0 : i32
    %c0_i32_1 = arith.constant 0 : i32
    return %arg0, %c0_i32, %c0_i32_0 : i32, i32, i32
  }
  func.func @transform_5(%arg0: i32) -> (i32, i32, i32) {
    %c0_i32 = arith.constant 0 : i32
    %c0_i32_0 = arith.constant 0 : i32
    %c0_i32_1 = arith.constant 0 : i32
    return %arg0, %c0_i32, %c0_i32_0 : i32, i32, i32
  }
}

module attributes {stable_mosaic.version = 14 : i64} {
  func.func @_combine_body(%arg0: memref<512x1024xi32, #tpu.memory_space<vmem>>, %arg1: memref<512x1024xi32, #tpu.memory_space<vmem>>, %arg2: memref<1x1024xi32, #tpu.memory_space<vmem>>) attributes {dimension_semantics = [], scalar_prefetch = 0 : i64, scratch_operands = 0 : i64, tpu.core_type = #tpu.core_type<tc>} {
    %get3A = arith.constant 0 : index
    %get3A_0 = arith.constant 0 : index
    %get3A_1 = vector.load %arg0[%get3A, %get3A_0] : memref<512x1024xi32, #tpu.memory_space<vmem>>, vector<512x1024xi32>
    %get3A_2 = arith.constant 0 : index
    %get3A_3 = arith.constant 0 : index
    %get3A_4 = vector.load %arg1[%get3A_2, %get3A_3] : memref<512x1024xi32, #tpu.memory_space<vmem>>, vector<512x1024xi32>
    %reduce_min3A = arith.constant dense<2147483647> : vector<1024xi32>
    %reduce_min3A_5 = vector.multi_reduction <minsi>, %get3A_1, %reduce_min3A [0] : vector<512x1024xi32> to vector<1024xi32>
    %broadcast_in_dim3A = vector.shape_cast %reduce_min3A_5 : vector<1024xi32> to vector<1x1024xi32>
    %eq3A = vector.broadcast %broadcast_in_dim3A : vector<1x1024xi32> to vector<512x1024xi32>
    %eq3A_6 = arith.cmpi eq, %get3A_1, %eq3A : vector<512x1024xi32>
    %jit3A = arith.constant 2147483647 : i32
    %broadcast_in_dim3A_7 = vector.broadcast %jit3A : i32 to vector<512x1024xi32>
    %select_n3A = arith.select %eq3A_6, %get3A_4, %broadcast_in_dim3A_7 : vector<512x1024xi1>, vector<512x1024xi32>
    %reduce_min3A_8 = arith.constant dense<2147483647> : vector<1024xi32>
    %reduce_min3A_9 = vector.multi_reduction <minsi>, %select_n3A, %reduce_min3A_8 [0] : vector<512x1024xi32> to vector<1024xi32>
    %broadcast_in_dim3A_10 = vector.shape_cast %reduce_min3A_9 : vector<1024xi32> to vector<1x1024xi32>
    %eq3A_11 = arith.constant 2139095039 : i32
    %eq3A_12 = vector.broadcast %eq3A_11 : i32 to vector<1x1024xi32>
    %eq3A_13 = arith.cmpi eq, %broadcast_in_dim3A, %eq3A_12 : vector<1x1024xi32>
    %jit3A_14 = arith.constant -1 : i32
    %broadcast_in_dim3A_15 = vector.broadcast %jit3A_14 : i32 to vector<1x1024xi32>
    %select_n3A_16 = arith.select %eq3A_13, %broadcast_in_dim3A_15, %broadcast_in_dim3A_10 : vector<1x1024xi1>, vector<1x1024xi32>
    %swap3A = arith.constant 0 : index
    %swap3A_17 = arith.constant 0 : index
    %swap3A_18 = vector.load %arg2[%swap3A, %swap3A_17] : memref<1x1024xi32, #tpu.memory_space<vmem>>, vector<1x1024xi32>
    tpu.vector_store %arg2[%swap3A, %swap3A_17], %select_n3A_16 {strides = array<i32>} : memref<1x1024xi32, #tpu.memory_space<vmem>>, vector<1x1024xi32>,
    return
  }
}

</mosaic_0001>

<sc_bundles>
// kernel: kernel.5.cloned.1.call-start
scs
__scs_entry_jumppad:
0x0: {  	(pc) =	sbr.rel $0x88, $3  }
0x1: {  	(tag) =	ssettag $0x0;
	lr =	simm.s32 $0x1  }
0x2: {  	[smem:$0x3F9F] =	sst lr;
	_ =	strace $0xD0000000  }
0x3: {  	_ = 	snop  }
0x4: {  	_ = 	snop  }
0x5: {  	_ = 	snop  }
0x6: {  	_ = 	snop  }
0x7: {  	_ = 	snop  }
__scs_overlays_trampoline_lowered:
0x8: {  	[smem:$0x3FAE] =	sst s0  }
0x9: {  	[smem:$0x3FAF] =	sst s1  }
0xa: {  	[smem:$0x3FB0] =	sst s2  }
0xb: {  	[smem:$0x3FB1] =	sst s3  }
0xc: {  	[smem:$0x3FB2] =	sst s4  }
0xd: {  	[smem:$0x3FB3] =	sst s5  }
0xe: {  	[smem:$0x3FB4] =	sst s6  }
0xf: {  	[smem:$0x3FB5] =	sst s7  }
0x10: {  	[smem:$0x3FB6] =	sst s8  }
0x11: {  	[smem:$0x3FB7] =	sst s9;
	s0 =	simm.s32 @!p0 $0x0  }
0x12: {  	s1 =	sld [smem:$0x3F9D];
	s0 =	simm.s32 @p0 $0x1  }
0x13: {  	[smem:$0x3FB8] =	sst s0;
	s0 =	simm.s32 @!p1 $0x0  }
0x14: {  	s2 =	sld [smem:$0x3F9C];
	s0 =	simm.s32 @p1 $0x1  }
0x15: {  	[smem:$0x3FB9] =	sst s0;
	s0 =	simm.s32 @!p2 $0x0  }
0x16: {  	s3 =	sld [smem:$0x3FDB];
	s0 =	simm.s32 @p2 $0x1  }
0x17: {  	s4 =	simm.s32 $0x1BF5;
	[smem:$0x3FBB] =	sst s0  }
0x18: {  	s0 =	sld [smem:$0x3F9E];
	_ =	swait.ge [sflag:s4], $0x0  }
0x19: {  	s7 =	sld [smem:$0x3F9F]  }
0x1a: {  	s8 =	sadd.s32 $0xFFFFE003, lr  }
0x1b: {  	s9 =	sadd.s32 $0xFFFFFEF7, lr;
	s5 =	simm.s32 $0xFFFFFFFF;
	p2 =	slt.u32 s8, $0xFFFFF086  }
0x1c: {  	p1 =	slt.u32 s9, $0xF7A;
	s5 =	simm.s32 @!p2 $0x0  }
0x1d: {  	s5 =	simm.s32 @p1 $0x1;
	p0 =	seq.s32 s7, s2  }
0x1e: {  	s7 =	smul.u32 @!p0 $0xF7A, s2;
	p2 =	seq.s32 @!p0 s5, $0x0  }
0x1f: {  	s9 =	smul.u32 $0xF7A, s1;
	s8 =	simm.s32 @!p0 $0x1BF5;
	p2 =	por !p2, p0  }
0x20: {  	[sflag:s8] =	ssyncset.s32 @!p0 $0xFFFFF086;
	s6 =	sadd.s32 @!p0 s3, s7;
	s7 =	simm.s32 @!p0 $0x108  }
0x21: {  	s3 =	sadd.s32 s3, s9;
	s6 =	sadd.s32 @!p0 $0x88, s6;
	s7 =	simm.s32 @p2 $0x1082  }
0x22: {  	[simem:s7], [sflag:s8] =	dma.local @!p0 [hbm:s6], $0xF7A  }
0x23: {  	s9 =	sor.u32 $0xD0000000, s2;
	s6 =	simm.s32 $0x108;
	_ =	swait.ge @!p0 [sflag:s8], $0x0  }
0x24: {  	s3 =	sadd.s32 $0x88, s3;
	s6 =	simm.s32 @!p1 $0x1082;
	[sflag:s4] =	ssyncset.s32 $0xFFFFF086  }
0x25: {  	[simem:s6], [sflag:s4] =	dma.local [hbm:s3], $0xF7A  }
0x26: {  	[smem:$0x3F9F] =	sst s1;
	(tag) =	ssettag s2;
	_ =	strace s9  }
0x27: {  	s1 =	sld [smem:$0x3FAF]  }
0x28: {  	s2 =	sld [smem:$0x3FB0]  }
0x29: {  	s4 =	sld [smem:$0x3FB2]  }
0x2a: {  	p0 =	seq.s32 s5, $0x0;
	s5 =	sld [smem:$0x3FB3]  }
0x2b: {  	s6 =	sld [smem:$0x3FB4]  }
0x2c: {  	s7 =	sld [smem:$0x3FB5]  }
0x2d: {  	s3 =	simm.s32 $0x108;
	s8 =	sld [smem:$0x3FB6]  }
0x2e: {  	s3 =	simm.s32 @!p0 $0x1082;
	s9 =	sld [smem:$0x3FB7]  }
0x2f: {  	lr =	sadd.s32 s0, s3;
	s0 =	sld [smem:$0x3FAE]  }
0x30: {  	s3 =	sld [smem:$0x3FB1]  }
0x31: {  	[smem:$0x3FBA] =	sst s10  }
0x32: {  	s10 =	sld [smem:$0x3FB8];
	_ =	sdelay $0x3  }
0x33: {  	p0 =	seq.s32 s10, $0x1;
	s10 =	sld [smem:$0x3FBA];
	_ =	sdelay $0x3  }
0x34: {  	[smem:$0x3FBA] =	sst s10  }
0x35: {  	s10 =	sld [smem:$0x3FB9];
	_ =	sdelay $0x3  }
0x36: {  	p1 =	seq.s32 s10, $0x1;
	s10 =	sld [smem:$0x3FBA];
	_ =	sdelay $0x3  }
0x37: {  	[smem:$0x3FBA] =	sst s10  }
0x38: {  	s10 =	sld [smem:$0x3FBB]  }
0x39: {  	_ = 	snop;
	(pc) =	sbr.ind lr, $3  }
0x3a: {  	_ = 	snop  }
0x3b: {  	_ = 	snop  }
0x3c: {  	p2 =	seq.s32 s10, $0x1;
	s10 =	sld [smem:$0x3FBA]  }
0x3d: {  	_ =	shalt  }
0x3e: {  	_ =	shalt  }
0x3f: {  	_ =	shalt  }
0x40: {  	_ =	shalt  }
0x41: {  	_ =	shalt  }
0x42: {  	_ =	shalt  }
0x43: {  	_ =	shalt  }
0x44: {  	_ =	shalt  }
0x45: {  	_ =	shalt  }
0x46: {  	_ =	shalt  }
0x47: {  	_ =	shalt  }
0x48: {  	_ =	shalt  }
0x49: {  	_ =	shalt  }
0x4a: {  	_ =	shalt  }
0x4b: {  	_ =	shalt  }
0x4c: {  	_ =	shalt  }
0x4d: {  	_ =	shalt  }
0x4e: {  	_ =	shalt  }
0x4f: {  	_ =	shalt  }
0x50: {  	_ =	shalt  }
0x51: {  	_ =	shalt  }
0x52: {  	_ =	shalt  }
0x53: {  	_ =	shalt  }
0x54: {  	_ =	shalt  }
0x55: {  	_ =	shalt  }
0x56: {  	_ =	shalt  }
0x57: {  	_ =	shalt  }
0x58: {  	_ =	shalt  }
0x59: {  	_ =	shalt  }
0x5a: {  	_ =	shalt  }
0x5b: {  	_ =	shalt  }
0x5c: {  	_ =	shalt  }
0x5d: {  	_ =	shalt  }
0x5e: {  	_ =	shalt  }
0x5f: {  	_ =	shalt  }
0x60: {  	_ =	shalt  }
0x61: {  	_ =	shalt  }
0x62: {  	_ =	shalt  }
0x63: {  	_ =	shalt  }
0x64: {  	_ =	shalt  }
0x65: {  	_ =	shalt  }
0x66: {  	_ =	shalt  }
0x67: {  	_ =	shalt  }
0x68: {  	_ =	shalt  }
0x69: {  	_ =	shalt  }
0x6a: {  	_ =	shalt  }
0x6b: {  	_ =	shalt  }
0x6c: {  	_ =	shalt  }
0x6d: {  	_ =	shalt  }
0x6e: {  	_ =	shalt  }
0x6f: {  	_ =	shalt  }
0x70: {  	_ =	shalt  }
0x71: {  	_ =	shalt  }
0x72: {  	_ =	shalt  }
0x73: {  	_ =	shalt  }
0x74: {  	_ =	shalt  }
0x75: {  	_ =	shalt  }
0x76: {  	_ =	shalt  }
0x77: {  	_ =	shalt  }
0x78: {  	_ =	shalt  }
0x79: {  	_ =	shalt  }
0x7a: {  	_ =	shalt  }
0x7b: {  	_ =	shalt  }
0x7c: {  	_ =	shalt  }
0x7d: {  	_ =	shalt  }
0x7e: {  	_ =	shalt  }
0x7f: {  	_ =	shalt  }
0x80: {  	_ =	shalt  }
0x81: {  	_ =	shalt  }
0x82: {  	_ =	shalt  }
0x83: {  	_ =	shalt  }
0x84: {  	_ =	shalt  }
0x85: {  	_ =	shalt  }
0x86: {  	_ =	shalt  }
0x87: {  	_ =	shalt  }
.Lfunc_end0:
.L_simem_size_0:
called_computation_lowered:
.L_overlay_start_0:
0x88: {  	s2 =	sld [smem:$0x3FD9]  }
0x89: {  	s3 =	sld [smem:$0x3FFE];
	_ =	sdelay $0x1  }
0x8a: {  	s1 =	srdreg.scid  }
0x8b: {  	s0 =	sand.u32 $0x1, s1  }
0x8c: {  	s16 =	sshll.u32 s0, $0xA;
	s2 =	sadd.s32 s3, s2  }
0x8d: {  	s2 =	sadd.s32 s2, s16  }
0x8e: {  	[smem:$0x3FC6] =	sst s2  }
0x8f: {  	_ = 	snop  }
0x90: {  	(tm) =	ssettm $0x1  }
0x91: {  	s17 =	sld [smem:$0x3FFB];
	_ =	sdelay $0x3  }
0x92: {  	_ =	strace s17  }
0x93: {  	s2 =	sld [smem:$0x3FFC];
	_ =	sdelay $0x3  }
0x94: {  	_ =	strace s2  }
0x95: {  	s2 =	sld [smem:$0x3FFD];
	_ =	sdelay $0x3  }
0x96: {  	_ =	strace s2  }
0x97: {  	_ =	strace $0x8FFFFFFF  }
0x98: {  	s18 =	sld [smem:$0x3FDB];
	_ =	sdelay $0x1  }
0x99: {  	s19 =	simm.s32 $_scs_section_size  }
0x9a: {  	s4 =	simm.s32 $_size__tile_overlayer_lowered;
	s5 =	simm.s32 $_tile_overlayer_lowered  }
0x9b: {  	s22 =	simm.s32 $0x1BFF;
	s21 =	sshll.u32 s5, $0x1;
	s2 =	sadd.s32 s19, s18  }
0x9c: {  	s6 =	simm.s32 $0x0;
	s20 =	sshll.u32 s4, $0x1;
	s4 =	sadd.s32 s21, s2  }
0x9d: {  	[timem:s6], [sflag:s22] =	dma.local [hbm:s4], s20  }
0x9e: {  	_ =	swait.ge [sflag:s22], s20  }
0x9f: {  	s3 =	ssub.s32 $0x0, s20;
	[sflag:s22] =	ssyncset.done $0x0  }
0xa0: {  	[sflag:s22] =	ssyncadd.s32 s3;
	_ =	sdelay $0x1  }
0xa1: {  	s23 =	simm.s32 $0x1B8B  }
0xa2: {  	_ =	swait.ge [sflag:s23], $0x1  }
0xa3: {  	[sflag:s23] =	ssyncset.done $0x0  }
0xa4: {  	s25 =	simm.s32 $0x1B8E;
	s24 =	sld [smem:$0x3FFE];
	[sflag:s23] =	ssyncadd.s32 $0xFFFFFFFF  }
0xa5: {  	s26 =	simm.s32 $execute0_lowered;
	[smem:$0x3FD2] =	sst s25  }
0xa6: {  	s4 =	sshll.u32 s26, $0x1;
	_ =	strace $0x80000046;
	[dreg:$0x1] =	wrdreg $0xFFFFFFFF  }
0xa7: {  	s28 =	simm.s32 $_size_execute0_lowered;
	s2 =	sadd.s32 s2, s4;
	[dreg:$0x0] =	wrdreg $0x0  }
0xa8: {  	s4 =	sshll.u32 s28, $0x1;
	[dreg:$0x2] =	wrdreg s2  }
0xa9: {  	[dreg:$0x3] =	wrdreg s4  }
0xaa: {  	[dreg:$0x4] =	wrdreg $0xC0  }
0xab: {  	_ =	task [dreg:s6], $0x5FFFF  }
0xac: {  	[dreg:$0x1] =	wrdreg $0xFFFFFFFF  }
0xad: {  	[dreg:$0x0] =	wrdreg $0x60  }
0xae: {  	[dreg:$0x2] =	wrdreg s24  }
0xaf: {  	[dreg:$0x3] =	wrdreg $0x9  }
0xb0: {  	_ =	task.clear_ibuf [dreg:s6], $0x4FFFF;
	_ =	strace $0x90000046  }
0xb1: {  	s29 =	simm.s32 $0x9;
	_ =	strace $0x80000048  }
0xb2: {  	_ =	swait.ge [sflag:s29], $0x1  }
0xb3: {  	[sflag:s29] =	ssyncadd.s32 $0xFFFFFFFF  }
0xb4: {  	_ =	strace $0x90000048  }
0xb5: {  	_ =	sfence  }
0xb6: {  	s30 =	sld [smem:$0x0];
	_ =	sdelay $0x2  }
0xb7: {  	s31 =	sshll.u32 s1, $0xD;
	s1 =	sshrl.u32 s1, $0x2  }
0xb8: {  	s3 =	sand.u32 $0x4000, s31;
	s1 =	sadd.s32 s1, s30  }
0xb9: {  	s0 =	sor.u32 s3, s0;
	s1 =	sshll.u32 s1, $0x11  }
0xba: {  	s0 =	sor.u32 s1, s0  }
0xbb: {  	s0 =	sadd.s32 $0x8F2B, s0  }
0xbc: {  	[sflag:s0] =	ssyncadd.remote.s32 $0x1  }
0xbd: {  	_ =	sfence.sel $0xFFFF  }
0xbe: {  	[dreg:$0x0] =	wrdreg $0xFFFFFFFF;
	(pc) =	sbr.abs _section_cstart, $3  }
0xbf: {  	[dreg:$0x1] =	wrdreg $0xFFFFFFFF  }
0xc0: {  	_ =	task.clear_ibuf [dreg:s6], $0x2FFFF;
	_ =	strace $0x9FFFFFFF  }
0xc1: {  	(tm) =	ssettm $0x7FFFFFFF  }
tec
execute0_lowered:
.L_overlay_start_1:
0x0: {  	(tag) =	ssettag $0x1  }
0x1: {  	s0 =	srdreg.scid;
	s3 =	rddreg [dreg:$0x0]  }
0x2: {  	s1 =	stileid.u32;
	s2 =	simm.s32 $0x0;
	s11 =	simm.s32 $0x1000  }
0x3: {  	s12 =	simm.s32 $0x5000;
	s13 =	simm.s32 $0x80;
	s14 =	simm.s32 $0x400  }
0x4: {  	s15 =	simm.s32 $0x0;
	s7 =	sand.u32 $0x1, s0;
	s0 =	rddreg [dreg:$0x1]  }
0x5: {  	[smem:$0x7FF] =	sst s2;
	s6 =	sshll.u32 s1, $0x4;
	s10 =	sshll.u32 s1, $0xB  }
0x6: {  	s4 =	sshll.u32 s7, $0x4;
	_ =	strace $0x80000047;
	s30 =	ssub.s32 $0x2, s7  }
0x7: {  	s31 =	sshll.u32 s7, $0xF;
	s4 =	sor.u32 s1, s4;
	s8 =	sshrl.u32 s30, $0x1  }
0x8: {  	s5 =	sshll.u32 s4, $0xB;
	s4 =	sshll.u32 s4, $0x8;
	s8 =	ssub.s32 s30, s8  }
0x9: {  	s5 =	sor.u32 s6, s5;
	s4 =	sadd.s32 s4, s3;
	s7 =	smax.u32 s8, $0x1  }
0xa: {  	s8 =	sor.u32 s10, s31;
	s10 =	simm.s32 $0x800;
	s5 =	sand.u32 $0xC070, s5  }
0xb: {  	v0 =	vlaneseq.u32;
	s9 =	sadd.s32 s5, s3;
	s3 =	sadd.s32 $0x1200, s4;
	s4 =	sadd.s32 $0x3200, s4  }
0xc: {  	v1 =	vimm.s32 $0x7F7FFFFF;
	v2 =	vmul.u32 $0x400, v0;
	s5 =	sadd.s32 $0x5200, s9;
	s6 =	sadd.s32 $0x15200, s9;
	s9 =	simm.s32 $0x1  }
.LBB2_1:
0xd: {  	[tilespmem:s2], [sflag:$0x1] =	stream.linear.gather [hbm4b:s3+s2], $0x800, $0x38;
	[tilespmem:$0x9000] =	vst v63  }
0xe: {  	_ =	swait.ge [sflag:s9], $0x800  }
0xf: {  	[sflag:s9] =	ssyncset.done $0x0  }
0x10: {  	[sflag:s9] =	ssyncadd.s32 $0xFFFFF800  }
0x11: {  	[tilespmem:s10], [sflag:$0x1] =	stream.linear.gather [hbm4b:s4+s2], $0x800, $0x38;
	[tilespmem:$0x9000] =	vst v63  }
0x12: {  	_ =	swait.ge [sflag:s9], $0x800  }
0x13: {  	[sflag:s9] =	ssyncset.done $0x0  }
0x14: {  	s16 =	simm.s32 $0x0;
	[sflag:s9] =	ssyncadd.s32 $0xFFFFF800  }
.LBB2_2:
0x15: {  	p0 =	sne.s32 s16, $0xFFC0  }
.Ltmp0:
0x16: {  	_ = 	snop;
	(pc) =	sbr.rel @p0 .LBB2_2-.Ltmp0, $3  }
0x17: {  	_ =	sdelay $0x1  }
0x18: {  	s17 =	sshra.s32 s16, $0x2  }
0x19: {  	s16 =	sadd.s32 $0x40, s16;
	[tilespmem:s17+$0x1000] =	vst v1  }
0x1a: {  	s16 =	simm.s32 $0x0;
	s17 =	smov.u32 s8  }
.LBB2_4:
0x1b: {  	s18 =	sshra.s32 s16, $0x2  }
0x1c: {  	v3 =	vld [tilespmem:s18+$0x0];
	_ =	sdelay $0x4  }
0x1d: {  	v3 =	vadd.s32 v2, v3;
	_ =	sdelay $0x3  }
0x1e: {  	v4 =	vld [tilespmem:s18+$0x800]  }
0x1f: {  	v5 =	vld.idx.msk [tilespmem:v3+s11+$0x0], $0xffff;
	_ =	sdelay $0x4  }
0x20: {  	vm0 =	vlt.s32 v4, v5;
	_ =	sdelay $0x1  }
0x21: {  	p0 =	sne.s32 s16, $0x1FC0  }
.Ltmp1:
0x22: {  	_ = 	snop;
	(pc) =	sbr.rel @p0 .LBB2_4-.Ltmp1, $3  }
0x23: {  	_ =	sdelay $0x1  }
0x24: {  	v63 =	vor.u32 s17, v0;
	[tilespmem:v3+s11+$0x0] =	vst.idx.msk vm0, v4  }
0x25: {  	s17 =	sadd.s32 $0x10, s17;
	s16 =	sadd.s32 $0x40, s16;
	[tilespmem:v3+s12+$0x0] =	vst.idx.msk vm0, v63  }
0x26: {  	[hbm4b:s5+s13] =	stream.strided.scatter [tilespmem:s11], [sflag:$0x1], $0x4000, s14, s13, $0x38;
	[tilespmem:$0x9000] =	vst v63  }
0x27: {  	s15 =	sadd.s32 $0x1, s15;
	_ =	swait.ge [sflag:s9], $0x4000  }
0x28: {  	p0 =	sne.s32 s15, s7;
	[sflag:s9] =	ssyncset.done $0x0  }
.Ltmp2:
0x29: {  	[sflag:s9] =	ssyncadd.s32 $0xFFFFC000;
	(pc) =	sbr.rel @p0 .LBB2_1-.Ltmp2, $4  }
0x2a: {  	[hbm4b:s6+s13] =	stream.strided.scatter [tilespmem:s12], [sflag:$0x1], $0x4000, s14, s13, $0x38;
	[tilespmem:$0x9000] =	vst v63  }
0x2b: {  	_ =	swait.ge [sflag:s9], $0x4000  }
0x2c: {  	[sflag:s9] =	ssyncset.done $0x0  }
0x2d: {  	[sflag:s9] =	ssyncadd.s32 $0xFFFFC000  }
0x2e: {  	_ =	sfence.sel $0x180000  }
0x2f: {  	[bflag:$0x0] =	sbarrier.arrive $0xFFFF  }
0x30: {  	p0 =	sne.s32 s1, $0x0;
	_ =	strace $0x90000047  }
0x31: {  	s0 =	sadd.s32 @!p0 $0x100000, s0;
	[bflag:$0x2] =	sbarrier.arrive $0xFFFF  }
0x32: {  	[sflag:s0] =	ssyncadd.tile.s32 @!p0 $0x1;
	_ =	shalt  }
.Lfunc_end2:
_tile_overlayer_lowered:
.L_overlay_start_2:
0x33: {  	(tag) =	ssettag $0x2  }
0x34: {  	s0 =	rddreg [dreg:$0x0];
	s2 =	stileid.u32  }
0x35: {  	s1 =	rddreg [dreg:$0x1];
	p0 =	sne.s32 s2, $0x0  }
0x36: {  	s3 =	rddreg [dreg:$0x2];
	[bflag:$0x3] =	sbarrier.arrive $0xFFFF;
	s2 =	simm.s32 @!p0 $0x1C01  }
0x37: {  	[timem:s3], [sflag:s2] =	dma.local @!p0 [hbm:s0], s1  }
0x38: {  	s0 =	simm.s32 @!p0 $0x1  }
0x39: {  	_ =	swait.ge @!p0 [sflag:s0], s1  }
0x3a: {  	s1 =	ssub.s32 @!p0 $0x0, s1;
	[sflag:s0] =	ssyncset.done @!p0 $0x0  }
0x3b: {  	[sflag:s0] =	ssyncadd.s32 @!p0 s1  }
0x3c: {  	[bflag:$0x3] =	sbarrier.arrive $0xFFFF  }
0x3d: {  	_ =	shalt  }

</sc_bundles>
